<compile_context>
chip_gen: v7x
topology: tpu7x:2x2x1
jax: 0.10.2.dev20260603
libtpu: 0.0.44.dev20260713+nightly
codegen_flags: <defaults>
</compile_context>

<pallas_src>
import functools

import jax
import jax.numpy as jnp
from jax import lax
from jax.experimental import pallas as pl
from jax.experimental.pallas import tpu as pltpu
from jax.experimental.pallas import tpu_sc as plsc

EPS = 1e-5

_NC = 2
_NS = 16
_NW = _NC * _NS
_CHUNK = 128


def _sc_gather_body(tok_hbm, idx_hbm, out_hbm, idx_v, rows_v, sem):
    n_tokens = idx_hbm.shape[0]
    per_w = n_tokens // _NW
    n_chunks = per_w // _CHUNK
    wid = lax.axis_index("s") * _NC + lax.axis_index("c")
    base = wid * per_w

    def step(i, carry):
        off = base + i * _CHUNK
        pltpu.sync_copy(idx_hbm.at[pl.ds(off, _CHUNK)], idx_v)
        pltpu.async_copy(tok_hbm.at[idx_v], rows_v, sem).wait()
        pltpu.sync_copy(rows_v, out_hbm.at[pl.ds(off, _CHUNK)])
        return carry

    lax.fori_loop(0, n_chunks, step, 0)


def _make_gather(n_tokens, d_model):
    mesh = plsc.VectorSubcoreMesh(core_axis_name="c", subcore_axis_name="s")
    return pl.kernel(
        _sc_gather_body,
        out_type=jax.ShapeDtypeStruct((n_tokens, d_model), jnp.float32),
        mesh=mesh,
        scratch_types=[
            pltpu.VMEM((_CHUNK,), jnp.int32),
            pltpu.VMEM((_CHUNK, d_model), jnp.float32),
            pltpu.SemaphoreType.DMA,
        ],
    )


def _ln_body(g_ref, seg_ref, pos_ref, segt_ref, gamma_ref, beta_ref, o_ref):
    e = g_ref[...]
    pos = pos_ref[...]
    st = segt_ref[...]
    sf = seg_ref[...].astype(jnp.float32)
    e = e + pos[None, :, :]
    e = e + st[0][None, None, :] + sf[..., None] * (st[1] - st[0])[None, None, :]
    mean = jnp.mean(e, axis=-1, keepdims=True)
    c = e - mean
    var = jnp.mean(c * c, axis=-1, keepdims=True)
    normed = c * lax.rsqrt(var + EPS)
    o_ref[...] = normed * gamma_ref[...][None, :] + beta_ref[...][None, :]


def kernel(x, seg, tok_table, pos_table, seg_table, gamma, beta):
    batch, seq = x.shape
    d = tok_table.shape[1]
    n_tokens = batch * seq

    x_flat = x.reshape(-1).astype(jnp.int32)
    g = _make_gather(n_tokens, d)(tok_table, x_flat)
    g3 = g.reshape(batch, seq, d)

    bb = 32
    grid = (batch // bb,)
    out = pl.pallas_call(
        _ln_body,
        grid=grid,
        in_specs=[
            pl.BlockSpec((bb, seq, d), lambda i: (i, 0, 0)),
            pl.BlockSpec((bb, seq), lambda i: (i, 0)),
            pl.BlockSpec((seq, d), lambda i: (0, 0)),
            pl.BlockSpec((2, d), lambda i: (0, 0)),
            pl.BlockSpec((1, d), lambda i: (0, 0)),
            pl.BlockSpec((1, d), lambda i: (0, 0)),
        ],
        out_specs=pl.BlockSpec((bb, seq, d), lambda i: (i, 0, 0)),
        out_shape=jax.ShapeDtypeStruct((batch, seq, d), jnp.float32),
    )(g3, seg.astype(jnp.int32), pos_table, seg_table,
      gamma.reshape(1, d), beta.reshape(1, d))
    return out

# --- scband reference (transcript-rebuilt; emitter-appended) ---
"""Pipeline reference for scband-bertembedding-59468117180521 (READ-ONLY COPY).

The authoritative reference and input builder live on the scoring server;
editing this copy changes nothing except your own understanding.
"""

import jax, jax.numpy as jnp
import numpy as np

VOCAB = 100000
D_MODEL = 128
MAX_LEN = 128
N_SEG = 2
BATCH = 1024
SEQ = 128
EPS = 1e-5

def setup_inputs(seed: int = 0) -> dict:
    key = jax.random.key(seed)
    k1, k2, k3, k4, k5 = jax.random.split(key, 5)
    x = jax.random.randint(k1, (BATCH, SEQ), 0, VOCAB, dtype=jnp.int64 if jax.config.jax_enable_x64 else jnp.int32)
    seg = jax.random.randint(k2, (BATCH, SEQ), 0, N_SEG, dtype=jnp.int64 if jax.config.jax_enable_x64 else jnp.int32)
    tok_table = jax.random.normal(k3, (VOCAB, D_MODEL), dtype=jnp.float32)
    pos_table = jax.random.normal(k4, (MAX_LEN, D_MODEL), dtype=jnp.float32)
    seg_table = jax.random.normal(k5, (N_SEG, D_MODEL), dtype=jnp.float32)
    gamma = jnp.ones((D_MODEL,), dtype=jnp.float32)
    beta = jnp.zeros((D_MODEL,), dtype=jnp.float32)
    return {"x": x, "seg": seg, "tok_table": tok_table, "pos_table": pos_table, "seg_table": seg_table, "gamma": gamma, "beta": beta}

def reference(x, seg, tok_table, pos_table, seg_table, gamma, beta):
    seq_len = x.shape[1]
    pos = jnp.arange(seq_len)
    pos = jnp.broadcast_to(pos[None, :], x.shape)
    emb = jnp.take(tok_table, x, axis=0) + jnp.take(pos_table, pos, axis=0) + jnp.take(seg_table, seg, axis=0)
    mean = jnp.mean(emb, axis=-1, keepdims=True)
    var = jnp.mean((emb - mean) ** 2, axis=-1, keepdims=True)
    normed = (emb - mean) / jnp.sqrt(var + EPS)
    out = normed * gamma + beta
    # dropout is identity in eval mode
    return out

if __name__ == "__main__":
    import jax
    _d = setup_inputs()
    print(jax.jit(kernel)(*tuple(_d.values())))

</pallas_src>

<mosaic_0001>
#map = affine_map<(d0, d1) -> (0, 0)>
#map1 = affine_map<(d0, d1) -> (0)>
module attributes {stable_mosaic.version = 14 : i64} {
  func.func @_sc_gather_body(%arg0: i32, %arg1: i32, %arg2: memref<100000x128xf32, #tpu.memory_space<hbm>>, %arg3: memref<131072xi32, #tpu.memory_space<hbm>>, %arg4: memref<131072x128xf32, #tpu.memory_space<hbm>>, %arg5: memref<128xi32, #tpu.memory_space<vmem>>, %arg6: memref<128x128xf32, #tpu.memory_space<vmem>>, %arg7: memref<!tpu.dma_semaphore, #tpu.memory_space<semaphore_mem>>) attributes {dimension_semantics = [#tpu.dimension_semantics<core_parallel>, #tpu.dimension_semantics<subcore_parallel>], iteration_bounds = array<i64: 2, 16>, scalar_prefetch = 0 : i64, scratch_operands = 3 : i64, tpu.core_type = #tpu.core_type<sc_vector_subcore>, window_params = [{transform_indices = #map}, {transform_indices = #map1}, {transform_indices = #map}]} {
    %mul3A = arith.constant 2 : i32
    %mul3A_0 = arith.muli %arg1, %mul3A : i32
    %add3A = arith.addi %mul3A_0, %arg0 : i32
    %mul3A_1 = arith.constant 4096 : i32
    %mul3A_2 = arith.muli %add3A, %mul3A_1 : i32
    %scan3A = arith.constant 0 : i32
    %scan3A_3 = arith.constant 0 : i32
    %scan3A_4 = arith.constant 32 : i32
    %scan3A_5 = arith.addi %scan3A_3, %scan3A_4 : i32
    %scan3A_6 = arith.constant 1 : i32
    scf.for %scan3A_8 = %scan3A_3 to %scan3A_5 step %scan3A_6  : i32 {
      %mul3A_9 = arith.constant 128 : i32
      %mul3A_10 = arith.muli %scan3A_8, %mul3A_9 : i32
      %add3A_11 = arith.addi %mul3A_2, %mul3A_10 : i32
      "tpu.region"() ({
        %run_scoped3A = tpu.sem_alloc : memref<!tpu.dma_semaphore, #tpu.memory_space<semaphore_mem>>
        %dma_start3A_16 = tpu.memref_slice %arg3[%add3A_11] : memref<131072xi32, #tpu.memory_space<hbm>> -> memref<128xi32, #tpu.memory_space<hbm>>
        %dma_start3A_17 = tpu.memref_slice %arg3[%add3A_11] : memref<131072xi32, #tpu.memory_space<hbm>> -> memref<128xi32, #tpu.memory_space<hbm>>
        tpu.enqueue_dma source(%dma_start3A_17 : memref<128xi32, #tpu.memory_space<hbm>>) target(%arg5 : memref<128xi32, #tpu.memory_space<vmem>>) target_semaphore(%run_scoped3A : memref<!tpu.dma_semaphore, #tpu.memory_space<semaphore_mem>>)
        %dma_wait3A_18 = tpu.memref_slice %arg3[%add3A_11] : memref<131072xi32, #tpu.memory_space<hbm>> -> memref<128xi32, #tpu.memory_space<hbm>>
        %dma_wait3A_19 = tpu.memref_slice %arg3[%add3A_11] : memref<131072xi32, #tpu.memory_space<hbm>> -> memref<128xi32, #tpu.memory_space<hbm>>
        tpu.wait_dma2 semaphore(%run_scoped3A : memref<!tpu.dma_semaphore, #tpu.memory_space<semaphore_mem>>) src(%dma_wait3A_19 : memref<128xi32, #tpu.memory_space<hbm>>) dst(%arg5 : memref<128xi32, #tpu.memory_space<vmem>>)
        tpu.yield
      }) : () -> ()
      %dma_start3A = arith.constant 0 : i32
      %dma_start3A_12 = arith.constant 0 : i32
      %dma_start3A_13 = tpu.memref_slice %arg2[%dma_start3A, %dma_start3A_12] : memref<100000x128xf32, #tpu.memory_space<hbm>> -> memref<100000x128xf32, #tpu.memory_space<hbm>>
      tpu.enqueue_indirect_dma source(%dma_start3A_13 : memref<100000x128xf32, #tpu.memory_space<hbm>>) target(%arg6 : memref<128x128xf32, #tpu.memory_space<vmem>>) offsets(%arg5 : memref<128xi32, #tpu.memory_space<vmem>>) semaphore(%arg7 : memref<!tpu.dma_semaphore, #tpu.memory_space<semaphore_mem>>)
      %dma_wait3A = arith.constant 0 : i32
      %dma_wait3A_14 = arith.constant 0 : i32
      %dma_wait3A_15 = tpu.memref_slice %arg2[%dma_wait3A, %dma_wait3A_14] : memref<100000x128xf32, #tpu.memory_space<hbm>> -> memref<100000x128xf32, #tpu.memory_space<hbm>>
      tpu.wait_indirect_dma semaphore(%arg7 : memref<!tpu.dma_semaphore, #tpu.memory_space<semaphore_mem>>) src(%dma_wait3A_15 : memref<100000x128xf32, #tpu.memory_space<hbm>>) dst(%arg6 : memref<128x128xf32, #tpu.memory_space<vmem>>)
      "tpu.region"() ({
        %run_scoped3A = tpu.sem_alloc : memref<!tpu.dma_semaphore, #tpu.memory_space<semaphore_mem>>
        %dma_start3A_16 = arith.constant 0 : i32
        %dma_start3A_17 = tpu.memref_slice %arg4[%add3A_11, %dma_start3A_16] : memref<131072x128xf32, #tpu.memory_space<hbm>> -> memref<128x128xf32, #tpu.memory_space<hbm>>
        %dma_start3A_18 = arith.constant 0 : i32
        %dma_start3A_19 = tpu.memref_slice %arg4[%add3A_11, %dma_start3A_18] : memref<131072x128xf32, #tpu.memory_space<hbm>> -> memref<128x128xf32, #tpu.memory_space<hbm>>
        tpu.enqueue_dma source(%arg6 : memref<128x128xf32, #tpu.memory_space<vmem>>) target(%dma_start3A_19 : memref<128x128xf32, #tpu.memory_space<hbm>>) target_semaphore(%run_scoped3A : memref<!tpu.dma_semaphore, #tpu.memory_space<semaphore_mem>>)
        %dma_wait3A_20 = arith.constant 0 : i32
        %dma_wait3A_21 = tpu.memref_slice %arg4[%add3A_11, %dma_wait3A_20] : memref<131072x128xf32, #tpu.memory_space<hbm>> -> memref<128x128xf32, #tpu.memory_space<hbm>>
        %dma_wait3A_22 = arith.constant 0 : i32
        %dma_wait3A_23 = tpu.memref_slice %arg4[%add3A_11, %dma_wait3A_22] : memref<131072x128xf32, #tpu.memory_space<hbm>> -> memref<128x128xf32, #tpu.memory_space<hbm>>
        tpu.wait_dma2 semaphore(%run_scoped3A : memref<!tpu.dma_semaphore, #tpu.memory_space<semaphore_mem>>) src(%arg6 : memref<128x128xf32, #tpu.memory_space<vmem>>) dst(%dma_wait3A_23 : memref<128x128xf32, #tpu.memory_space<hbm>>)
        tpu.yield
      }) : () -> ()
    }
    %scan3A_7 = arith.constant 32 : i32
    return
  }
}

module attributes {stable_mosaic.version = 14 : i64} {
  func.func @_ln_body(%arg0: i32, %arg1: memref<32x128x128xf32, #tpu.memory_space<vmem>>, %arg2: memref<32x128xi32, #tpu.memory_space<vmem>>, %arg3: memref<128x128xf32, #tpu.memory_space<vmem>>, %arg4: memref<2x128xf32, #tpu.memory_space<vmem>>, %arg5: memref<1x128xf32, #tpu.memory_space<vmem>>, %arg6: memref<1x128xf32, #tpu.memory_space<vmem>>, %arg7: memref<32x128x128xf32, #tpu.memory_space<vmem>>) attributes {dimension_semantics = [#tpu.dimension_semantics<arbitrary>], iteration_bounds = array<i64: 32>, scalar_prefetch = 0 : i64, scratch_operands = 0 : i64, tpu.core_type = #tpu.core_type<tc>, window_params = [{transform_indices = @transform_0, window_bounds = array<i64: 32, 128, 128>}, {transform_indices = @transform_1, window_bounds = array<i64: 32, 128>}, {pipeline_mode = #tpu.pipeline_mode<synchronous>, transform_indices = @transform_2, window_bounds = array<i64: 128, 128>}, {pipeline_mode = #tpu.pipeline_mode<synchronous>, transform_indices = @transform_3, window_bounds = array<i64: 2, 128>}, {pipeline_mode = #tpu.pipeline_mode<synchronous>, transform_indices = @transform_4, window_bounds = array<i64: 1, 128>}, {pipeline_mode = #tpu.pipeline_mode<synchronous>, transform_indices = @transform_5, window_bounds = array<i64: 1, 128>}, {transform_indices = @transform_6, window_bounds = array<i64: 32, 128, 128>}]} {
    %get3A = arith.constant 0 : index
    %get3A_0 = arith.constant 0 : index
    %get3A_1 = arith.constant 0 : index
    %get3A_2 = vector.load %arg1[%get3A, %get3A_0, %get3A_1] : memref<32x128x128xf32, #tpu.memory_space<vmem>>, vector<32x128x128xf32>
    %get3A_3 = arith.constant 0 : index
    %get3A_4 = arith.constant 0 : index
    %get3A_5 = vector.load %arg3[%get3A_3, %get3A_4] : memref<128x128xf32, #tpu.memory_space<vmem>>, vector<128x128xf32>
    %get3A_6 = arith.constant 0 : index
    %get3A_7 = arith.constant 0 : index
    %get3A_8 = vector.load %arg4[%get3A_6, %get3A_7] : memref<2x128xf32, #tpu.memory_space<vmem>>, vector<2x128xf32>
    %get3A_9 = arith.constant 0 : index
    %get3A_10 = arith.constant 0 : index
    %get3A_11 = vector.load %arg2[%get3A_9, %get3A_10] : memref<32x128xi32, #tpu.memory_space<vmem>>, vector<32x128xi32>
    %convert_element_type3A = arith.sitofp %get3A_11 : vector<32x128xi32> to vector<32x128xf32>
    %broadcast_in_dim3A = vector.shape_cast %get3A_5 : vector<128x128xf32> to vector<1x128x128xf32>
    %add3A = vector.broadcast %broadcast_in_dim3A : vector<1x128x128xf32> to vector<32x128x128xf32>
    %add3A_12 = arith.addf %get3A_2, %add3A : vector<32x128x128xf32>
    %slice3A = vector.extract_strided_slice %get3A_8 {offsets = [0, 0], sizes = [1, 128], strides = [1, 1]} : vector<2x128xf32> to vector<1x128xf32>
    %squeeze3A = vector.shape_cast %slice3A : vector<1x128xf32> to vector<128xf32>
    %broadcast_in_dim3A_13 = vector.shape_cast %squeeze3A : vector<128xf32> to vector<1x1x128xf32>
    %add3A_14 = vector.broadcast %broadcast_in_dim3A_13 : vector<1x1x128xf32> to vector<32x128x128xf32>
    %add3A_15 = arith.addf %add3A_12, %add3A_14 : vector<32x128x128xf32>
    %broadcast_in_dim3A_16 = vector.shape_cast %convert_element_type3A : vector<32x128xf32> to vector<32x128x1xf32>
    %slice3A_17 = vector.extract_strided_slice %get3A_8 {offsets = [1, 0], sizes = [1, 128], strides = [1, 1]} : vector<2x128xf32> to vector<1x128xf32>
    %squeeze3A_18 = vector.shape_cast %slice3A_17 : vector<1x128xf32> to vector<128xf32>
    %slice3A_19 = vector.extract_strided_slice %get3A_8 {offsets = [0, 0], sizes = [1, 128], strides = [1, 1]} : vector<2x128xf32> to vector<1x128xf32>
    %squeeze3A_20 = vector.shape_cast %slice3A_19 : vector<1x128xf32> to vector<128xf32>
    %sub3A = arith.subf %squeeze3A_18, %squeeze3A_20 : vector<128xf32>
    %broadcast_in_dim3A_21 = vector.shape_cast %sub3A : vector<128xf32> to vector<1x1x128xf32>
    %mul3A = vector.broadcast %broadcast_in_dim3A_16 : vector<32x128x1xf32> to vector<32x128x128xf32>
    %mul3A_22 = vector.broadcast %broadcast_in_dim3A_21 : vector<1x1x128xf32> to vector<32x128x128xf32>
    %mul3A_23 = arith.mulf %mul3A, %mul3A_22 : vector<32x128x128xf32>
    %add3A_24 = arith.addf %add3A_15, %mul3A_23 : vector<32x128x128xf32>
    %reduce_sum3A = arith.constant dense<0.000000e+00> : vector<32x128xf32>
    %reduce_sum3A_25 = vector.multi_reduction <add>, %add3A_24, %reduce_sum3A [2] : vector<32x128x128xf32> to vector<32x128xf32>
    %broadcast_in_dim3A_26 = vector.shape_cast %reduce_sum3A_25 : vector<32x128xf32> to vector<32x128x1xf32>
    %div3A = arith.constant 1.280000e+02 : f32
    %div3A_27 = vector.broadcast %div3A : f32 to vector<32x128x1xf32>
    %div3A_28 = arith.divf %broadcast_in_dim3A_26, %div3A_27 : vector<32x128x1xf32>
    %sub3A_29 = vector.broadcast %div3A_28 : vector<32x128x1xf32> to vector<32x128x128xf32>
    %sub3A_30 = arith.subf %add3A_24, %sub3A_29 : vector<32x128x128xf32>
    %mul3A_31 = arith.mulf %sub3A_30, %sub3A_30 : vector<32x128x128xf32>
    %reduce_sum3A_32 = arith.constant dense<0.000000e+00> : vector<32x128xf32>
    %reduce_sum3A_33 = vector.multi_reduction <add>, %mul3A_31, %reduce_sum3A_32 [2] : vector<32x128x128xf32> to vector<32x128xf32>
    %broadcast_in_dim3A_34 = vector.shape_cast %reduce_sum3A_33 : vector<32x128xf32> to vector<32x128x1xf32>
    %div3A_35 = arith.constant 1.280000e+02 : f32
    %div3A_36 = vector.broadcast %div3A_35 : f32 to vector<32x128x1xf32>
    %div3A_37 = arith.divf %broadcast_in_dim3A_34, %div3A_36 : vector<32x128x1xf32>
    %add3A_38 = arith.constant 9.99999974E-6 : f32
    %add3A_39 = vector.broadcast %add3A_38 : f32 to vector<32x128x1xf32>
    %add3A_40 = arith.addf %div3A_37, %add3A_39 : vector<32x128x1xf32>
    %rsqrt3A = math.rsqrt %add3A_40 : vector<32x128x1xf32>
    %mul3A_41 = vector.broadcast %rsqrt3A : vector<32x128x1xf32> to vector<32x128x128xf32>
    %mul3A_42 = arith.mulf %sub3A_30, %mul3A_41 : vector<32x128x128xf32>
    %get3A_43 = arith.constant 0 : index
    %get3A_44 = arith.constant 0 : index
    %get3A_45 = vector.load %arg5[%get3A_43, %get3A_44] : memref<1x128xf32, #tpu.memory_space<vmem>>, vector<1x128xf32>
    %broadcast_in_dim3A_46 = vector.shape_cast %get3A_45 : vector<1x128xf32> to vector<1x1x128xf32>
    %mul3A_47 = vector.broadcast %broadcast_in_dim3A_46 : vector<1x1x128xf32> to vector<32x128x128xf32>
    %mul3A_48 = arith.mulf %mul3A_42, %mul3A_47 : vector<32x128x128xf32>
    %get3A_49 = arith.constant 0 : index
    %get3A_50 = arith.constant 0 : index
    %get3A_51 = vector.load %arg6[%get3A_49, %get3A_50] : memref<1x128xf32, #tpu.memory_space<vmem>>, vector<1x128xf32>
    %broadcast_in_dim3A_52 = vector.shape_cast %get3A_51 : vector<1x128xf32> to vector<1x1x128xf32>
    %add3A_53 = vector.broadcast %broadcast_in_dim3A_52 : vector<1x1x128xf32> to vector<32x128x128xf32>
    %add3A_54 = arith.addf %mul3A_48, %add3A_53 : vector<32x128x128xf32>
    %swap3A = arith.constant 0 : index
    %swap3A_55 = arith.constant 0 : index
    %swap3A_56 = arith.constant 0 : index
    %swap3A_57 = vector.load %arg7[%swap3A, %swap3A_55, %swap3A_56] : memref<32x128x128xf32, #tpu.memory_space<vmem>>, vector<32x128x128xf32>
    tpu.vector_store %arg7[%swap3A, %swap3A_55, %swap3A_56], %add3A_54 {strides = array<i32>} : memref<32x128x128xf32, #tpu.memory_space<vmem>>, vector<32x128x128xf32>,
    return
  }
  func.func @transform_0(%arg0: i32) -> (i32, i32, i32) {
    %c0_i32 = arith.constant 0 : i32
    %c0_i32_0 = arith.constant 0 : i32
    %c0_i32_1 = arith.constant 0 : i32
    return %arg0, %c0_i32, %c0_i32_0 : i32, i32, i32
  }
  func.func @transform_1(%arg0: i32) -> (i32, i32) {
    %c0_i32 = arith.constant 0 : i32
    %c0_i32_0 = arith.constant 0 : i32
    return %arg0, %c0_i32 : i32, i32
  }
  func.func @transform_2(%arg0: i32) -> (i32, i32) {
    %c0_i32 = arith.constant 0 : i32
    %c0_i32_0 = arith.constant 0 : i32
    %c0_i32_1 = arith.constant 0 : i32
    return %c0_i32, %c0_i32_0 : i32, i32
  }
  func.func @transform_3(%arg0: i32) -> (i32, i32) {
    %c0_i32 = arith.constant 0 : i32
    %c0_i32_0 = arith.constant 0 : i32
    %c0_i32_1 = arith.constant 0 : i32
    return %c0_i32, %c0_i32_0 : i32, i32
  }
  func.func @transform_4(%arg0: i32) -> (i32, i32) {
    %c0_i32 = arith.constant 0 : i32
    %c0_i32_0 = arith.constant 0 : i32
    %c0_i32_1 = arith.constant 0 : i32
    return %c0_i32, %c0_i32_0 : i32, i32
  }
  func.func @transform_5(%arg0: i32) -> (i32, i32) {
    %c0_i32 = arith.constant 0 : i32
    %c0_i32_0 = arith.constant 0 : i32
    %c0_i32_1 = arith.constant 0 : i32
    return %c0_i32, %c0_i32_0 : i32, i32
  }
  func.func @transform_6(%arg0: i32) -> (i32, i32, i32) {
    %c0_i32 = arith.constant 0 : i32
    %c0_i32_0 = arith.constant 0 : i32
    %c0_i32_1 = arith.constant 0 : i32
    return %arg0, %c0_i32, %c0_i32_0 : i32, i32, i32
  }
}

</mosaic_0001>

<sc_bundles>
// kernel: kernel.4.cloned.1.call-start
scs
__scs_entry_jumppad:
0x0: {  	(pc) =	sbr.rel $0x88, $3  }
0x1: {  	(tag) =	ssettag $0x0;
	lr =	simm.s32 $0x1  }
0x2: {  	[smem:$0x3F9A] =	sst lr;
	_ =	strace $0xD0000000  }
0x3: {  	_ = 	snop  }
0x4: {  	_ = 	snop  }
0x5: {  	_ = 	snop  }
0x6: {  	_ = 	snop  }
0x7: {  	_ = 	snop  }
__scs_overlays_trampoline_lowered:
0x8: {  	[smem:$0x3FA9] =	sst s0  }
0x9: {  	[smem:$0x3FAA] =	sst s1  }
0xa: {  	[smem:$0x3FAB] =	sst s2  }
0xb: {  	[smem:$0x3FAC] =	sst s3  }
0xc: {  	[smem:$0x3FAD] =	sst s4  }
0xd: {  	[smem:$0x3FAE] =	sst s5  }
0xe: {  	[smem:$0x3FAF] =	sst s6  }
0xf: {  	[smem:$0x3FB0] =	sst s7  }
0x10: {  	[smem:$0x3FB1] =	sst s8  }
0x11: {  	[smem:$0x3FB2] =	sst s9;
	s0 =	simm.s32 @!p0 $0x0  }
0x12: {  	s1 =	sld [smem:$0x3F98];
	s0 =	simm.s32 @p0 $0x1  }
0x13: {  	[smem:$0x3FB3] =	sst s0;
	s0 =	simm.s32 @!p1 $0x0  }
0x14: {  	s2 =	sld [smem:$0x3F97];
	s0 =	simm.s32 @p1 $0x1  }
0x15: {  	[smem:$0x3FB4] =	sst s0;
	s0 =	simm.s32 @!p2 $0x0  }
0x16: {  	s3 =	sld [smem:$0x3FDB];
	s0 =	simm.s32 @p2 $0x1  }
0x17: {  	s4 =	simm.s32 $0x1BF5;
	[smem:$0x3FB6] =	sst s0  }
0x18: {  	s0 =	sld [smem:$0x3F99];
	_ =	swait.ge [sflag:s4], $0x0  }
0x19: {  	s7 =	sld [smem:$0x3F9A]  }
0x1a: {  	s8 =	sadd.s32 $0xFFFFE003, lr  }
0x1b: {  	s9 =	sadd.s32 $0xFFFFFEF7, lr;
	s5 =	simm.s32 $0xFFFFFFFF;
	p2 =	slt.u32 s8, $0xFFFFF086  }
0x1c: {  	p1 =	slt.u32 s9, $0xF7A;
	s5 =	simm.s32 @!p2 $0x0  }
0x1d: {  	s5 =	simm.s32 @p1 $0x1;
	p0 =	seq.s32 s7, s2  }
0x1e: {  	s7 =	smul.u32 @!p0 $0xF7A, s2;
	p2 =	seq.s32 @!p0 s5, $0x0  }
0x1f: {  	s9 =	smul.u32 $0xF7A, s1;
	s8 =	simm.s32 @!p0 $0x1BF5;
	p2 =	por !p2, p0  }
0x20: {  	[sflag:s8] =	ssyncset.s32 @!p0 $0xFFFFF086;
	s6 =	sadd.s32 @!p0 s3, s7;
	s7 =	simm.s32 @!p0 $0x108  }
0x21: {  	s3 =	sadd.s32 s3, s9;
	s6 =	sadd.s32 @!p0 $0x88, s6;
	s7 =	simm.s32 @p2 $0x1082  }
0x22: {  	[simem:s7], [sflag:s8] =	dma.local @!p0 [hbm:s6], $0xF7A  }
0x23: {  	s9 =	sor.u32 $0xD0000000, s2;
	s6 =	simm.s32 $0x108;
	_ =	swait.ge @!p0 [sflag:s8], $0x0  }
0x24: {  	s3 =	sadd.s32 $0x88, s3;
	s6 =	simm.s32 @!p1 $0x1082;
	[sflag:s4] =	ssyncset.s32 $0xFFFFF086  }
0x25: {  	[simem:s6], [sflag:s4] =	dma.local [hbm:s3], $0xF7A  }
0x26: {  	[smem:$0x3F9A] =	sst s1;
	(tag) =	ssettag s2;
	_ =	strace s9  }
0x27: {  	s1 =	sld [smem:$0x3FAA]  }
0x28: {  	s2 =	sld [smem:$0x3FAB]  }
0x29: {  	s4 =	sld [smem:$0x3FAD]  }
0x2a: {  	p0 =	seq.s32 s5, $0x0;
	s5 =	sld [smem:$0x3FAE]  }
0x2b: {  	s6 =	sld [smem:$0x3FAF]  }
0x2c: {  	s7 =	sld [smem:$0x3FB0]  }
0x2d: {  	s3 =	simm.s32 $0x108;
	s8 =	sld [smem:$0x3FB1]  }
0x2e: {  	s3 =	simm.s32 @!p0 $0x1082;
	s9 =	sld [smem:$0x3FB2]  }
0x2f: {  	lr =	sadd.s32 s0, s3;
	s0 =	sld [smem:$0x3FA9]  }
0x30: {  	s3 =	sld [smem:$0x3FAC]  }
0x31: {  	[smem:$0x3FB5] =	sst s10  }
0x32: {  	s10 =	sld [smem:$0x3FB3];
	_ =	sdelay $0x3  }
0x33: {  	p0 =	seq.s32 s10, $0x1;
	s10 =	sld [smem:$0x3FB5];
	_ =	sdelay $0x3  }
0x34: {  	[smem:$0x3FB5] =	sst s10  }
0x35: {  	s10 =	sld [smem:$0x3FB4];
	_ =	sdelay $0x3  }
0x36: {  	p1 =	seq.s32 s10, $0x1;
	s10 =	sld [smem:$0x3FB5];
	_ =	sdelay $0x3  }
0x37: {  	[smem:$0x3FB5] =	sst s10  }
0x38: {  	s10 =	sld [smem:$0x3FB6]  }
0x39: {  	_ = 	snop;
	(pc) =	sbr.ind lr, $3  }
0x3a: {  	_ = 	snop  }
0x3b: {  	_ = 	snop  }
0x3c: {  	p2 =	seq.s32 s10, $0x1;
	s10 =	sld [smem:$0x3FB5]  }
0x3d: {  	_ =	shalt  }
0x3e: {  	_ =	shalt  }
0x3f: {  	_ =	shalt  }
0x40: {  	_ =	shalt  }
0x41: {  	_ =	shalt  }
0x42: {  	_ =	shalt  }
0x43: {  	_ =	shalt  }
0x44: {  	_ =	shalt  }
0x45: {  	_ =	shalt  }
0x46: {  	_ =	shalt  }
0x47: {  	_ =	shalt  }
0x48: {  	_ =	shalt  }
0x49: {  	_ =	shalt  }
0x4a: {  	_ =	shalt  }
0x4b: {  	_ =	shalt  }
0x4c: {  	_ =	shalt  }
0x4d: {  	_ =	shalt  }
0x4e: {  	_ =	shalt  }
0x4f: {  	_ =	shalt  }
0x50: {  	_ =	shalt  }
0x51: {  	_ =	shalt  }
0x52: {  	_ =	shalt  }
0x53: {  	_ =	shalt  }
0x54: {  	_ =	shalt  }
0x55: {  	_ =	shalt  }
0x56: {  	_ =	shalt  }
0x57: {  	_ =	shalt  }
0x58: {  	_ =	shalt  }
0x59: {  	_ =	shalt  }
0x5a: {  	_ =	shalt  }
0x5b: {  	_ =	shalt  }
0x5c: {  	_ =	shalt  }
0x5d: {  	_ =	shalt  }
0x5e: {  	_ =	shalt  }
0x5f: {  	_ =	shalt  }
0x60: {  	_ =	shalt  }
0x61: {  	_ =	shalt  }
0x62: {  	_ =	shalt  }
0x63: {  	_ =	shalt  }
0x64: {  	_ =	shalt  }
0x65: {  	_ =	shalt  }
0x66: {  	_ =	shalt  }
0x67: {  	_ =	shalt  }
0x68: {  	_ =	shalt  }
0x69: {  	_ =	shalt  }
0x6a: {  	_ =	shalt  }
0x6b: {  	_ =	shalt  }
0x6c: {  	_ =	shalt  }
0x6d: {  	_ =	shalt  }
0x6e: {  	_ =	shalt  }
0x6f: {  	_ =	shalt  }
0x70: {  	_ =	shalt  }
0x71: {  	_ =	shalt  }
0x72: {  	_ =	shalt  }
0x73: {  	_ =	shalt  }
0x74: {  	_ =	shalt  }
0x75: {  	_ =	shalt  }
0x76: {  	_ =	shalt  }
0x77: {  	_ =	shalt  }
0x78: {  	_ =	shalt  }
0x79: {  	_ =	shalt  }
0x7a: {  	_ =	shalt  }
0x7b: {  	_ =	shalt  }
0x7c: {  	_ =	shalt  }
0x7d: {  	_ =	shalt  }
0x7e: {  	_ =	shalt  }
0x7f: {  	_ =	shalt  }
0x80: {  	_ =	shalt  }
0x81: {  	_ =	shalt  }
0x82: {  	_ =	shalt  }
0x83: {  	_ =	shalt  }
0x84: {  	_ =	shalt  }
0x85: {  	_ =	shalt  }
0x86: {  	_ =	shalt  }
0x87: {  	_ =	shalt  }
.Lfunc_end0:
.L_simem_size_0:
called_computation_lowered:
.L_overlay_start_0:
0x88: {  	s2 =	sld [smem:$0x3FD9]  }
0x89: {  	s3 =	sld [smem:$0x3FFE];
	_ =	sdelay $0x1  }
0x8a: {  	s1 =	srdreg.scid  }
0x8b: {  	s0 =	sand.u32 $0x1, s1  }
0x8c: {  	s17 =	sshll.u32 s0, $0xA;
	s2 =	sadd.s32 s3, s2  }
0x8d: {  	s2 =	sadd.s32 s2, s17  }
0x8e: {  	[smem:$0x3FC1] =	sst s2  }
0x8f: {  	_ = 	snop  }
0x90: {  	s2 =	sld [smem:$0x3FC9]  }
0x91: {  	s18 =	sld [smem:$0x3FC7];
	(tm) =	ssettm $0x1  }
0x92: {  	s4 =	sld [smem:$0x3FFB];
	_ =	sdelay $0x3  }
0x93: {  	_ =	strace s4  }
0x94: {  	s4 =	sld [smem:$0x3FFC];
	_ =	sdelay $0x3  }
0x95: {  	_ =	strace s4  }
0x96: {  	s4 =	sld [smem:$0x3FFD];
	_ =	sdelay $0x3  }
0x97: {  	_ =	strace s4  }
0x98: {  	_ =	strace $0x8FFFFFFF  }
0x99: {  	s19 =	sld [smem:$0x3FDB];
	_ =	sdelay $0x1  }
0x9a: {  	s5 =	simm.s32 $_scs_section_size  }
0x9b: {  	s6 =	simm.s32 $_size__tile_overlayer_lowered;
	s7 =	simm.s32 $_tile_overlayer_lowered  }
0x9c: {  	s22 =	simm.s32 $0x1BFF;
	s21 =	sshll.u32 s7, $0x1;
	s4 =	sadd.s32 s5, s19  }
0x9d: {  	s8 =	simm.s32 $0x0;
	s20 =	sshll.u32 s6, $0x1;
	s6 =	sadd.s32 s21, s4  }
0x9e: {  	[timem:s8], [sflag:s22] =	dma.local [hbm:s6], s20  }
0x9f: {  	_ =	swait.ge [sflag:s22], s20  }
0xa0: {  	s5 =	ssub.s32 $0x0, s20;
	[sflag:s22] =	ssyncset.done $0x0  }
0xa1: {  	[sflag:s22] =	ssyncadd.s32 s5;
	_ =	sdelay $0x1  }
0xa2: {  	s23 =	simm.s32 $0x1B8B  }
0xa3: {  	_ =	swait.ge [sflag:s23], $0x1  }
0xa4: {  	[sflag:s23] =	ssyncset.done $0x0  }
0xa5: {  	s25 =	simm.s32 $0x1B8E;
	s24 =	sld [smem:$0x3FFE];
	[sflag:s23] =	ssyncadd.s32 $0xFFFFFFFF  }
0xa6: {  	s26 =	simm.s32 $execute0_lowered;
	[smem:$0x3FD2] =	sst s25  }
0xa7: {  	s6 =	sshll.u32 s26, $0x1;
	_ =	strace $0x80000046;
	[dreg:$0x1] =	wrdreg $0xFFFFFFFF  }
0xa8: {  	s28 =	simm.s32 $_size_execute0_lowered;
	s4 =	sadd.s32 s4, s6;
	[dreg:$0x0] =	wrdreg $0x0  }
0xa9: {  	s6 =	sshll.u32 s28, $0x1;
	[dreg:$0x2] =	wrdreg s4  }
0xaa: {  	[dreg:$0x3] =	wrdreg s6  }
0xab: {  	[dreg:$0x4] =	wrdreg $0xC0  }
0xac: {  	_ =	task [dreg:s8], $0x5FFFF  }
0xad: {  	[dreg:$0x1] =	wrdreg $0xFFFFFFFF  }
0xae: {  	[dreg:$0x0] =	wrdreg $0x60  }
0xaf: {  	[dreg:$0x2] =	wrdreg s18  }
0xb0: {  	[dreg:$0x3] =	wrdreg s2  }
0xb1: {  	[dreg:$0x4] =	wrdreg s24  }
0xb2: {  	[dreg:$0x5] =	wrdreg $0x9  }
0xb3: {  	_ =	task.clear_ibuf [dreg:s8], $0x6FFFF;
	_ =	strace $0x90000046  }
0xb4: {  	s29 =	simm.s32 $0x9;
	_ =	strace $0x80000048  }
0xb5: {  	_ =	swait.ge [sflag:s29], $0x1  }
0xb6: {  	[sflag:s29] =	ssyncadd.s32 $0xFFFFFFFF  }
0xb7: {  	_ =	strace $0x90000048  }
0xb8: {  	_ =	sfence  }
0xb9: {  	s30 =	sld [smem:$0x0];
	_ =	sdelay $0x2  }
0xba: {  	s31 =	sshll.u32 s1, $0xD;
	s1 =	sshrl.u32 s1, $0x2  }
0xbb: {  	s3 =	sand.u32 $0x4000, s31;
	s1 =	sadd.s32 s1, s30  }
0xbc: {  	s0 =	sor.u32 s3, s0;
	s1 =	sshll.u32 s1, $0x11  }
0xbd: {  	s0 =	sor.u32 s1, s0  }
0xbe: {  	s0 =	sadd.s32 $0x8F2B, s0  }
0xbf: {  	[sflag:s0] =	ssyncadd.remote.s32 $0x1  }
0xc0: {  	_ =	sfence.sel $0xFFFF  }
0xc1: {  	[dreg:$0x0] =	wrdreg $0xFFFFFFFF;
	(pc) =	sbr.abs _section_cstart, $3  }
0xc2: {  	[dreg:$0x1] =	wrdreg $0xFFFFFFFF  }
0xc3: {  	_ =	task.clear_ibuf [dreg:s8], $0x2FFFF;
	_ =	strace $0x9FFFFFFF  }
0xc4: {  	(tm) =	ssettm $0x7FFFFFFF  }
0xc5: {  	_ =	shalt  }
tec
execute0_lowered:
.L_overlay_start_1:
0x0: {  	(tag) =	ssettag $0x1  }
0x1: {  	s1 =	rddreg [dreg:$0x0]  }
0x2: {  	s6 =	rddreg [dreg:$0x1]  }
0x3: {  	s4 =	rddreg [dreg:$0x2]  }
0x4: {  	s0 =	rddreg [dreg:$0x3]  }
0x5: {  	s3 =	simm.s32 $0x0;
	s2 =	stileid.u32;
	s5 =	srdreg.scid  }
0x6: {  	[smem:$0x7FF] =	sst s3;
	s7 =	sshll.u32 s2, $0x11;
	s5 =	sand.u32 $0x1, s5  }
0x7: {  	s9 =	sshll.u32 s2, $0xD;
	_ =	strace $0x80000047;
	s7 =	sadd.s32 s7, s4  }
0x8: {  	s29 =	ssub.s32 $0x2, s5;
	s10 =	sshll.u32 s5, $0xC;
	s5 =	sshll.u32 s5, $0x10  }
0x9: {  	s8 =	sshrl.u32 s29, $0x1;
	s30 =	sor.u32 s10, s9;
	s5 =	sadd.s32 s5, s7  }
0xa: {  	s7 =	simm.s32 $0x2;
	s9 =	simm.s32 $0x1;
	s10 =	simm.s32 $0x0  }
0xb: {  	s4 =	ssub.s32 s29, s8;
	s31 =	sshrl.u32 s30, $0x3;
	s5 =	sadd.s32 $0xE00, s5  }
0xc: {  	s8 =	simm.s32 $0x80;
	s4 =	smax.u32 s4, $0x1;
	s6 =	sadd.s32 s31, s6  }
.LBB2_1:
0xd: {  	s11 =	sadd.s32 $0x0, s6  }
0xe: {  	[tilespmem:s3], [sflag:$0x2] =	stream.linear.gather [hbm4b:s11+s3], $0x80, $0x38;
	[tilespmem:$0x4080] =	vst v63  }
0xf: {  	_ =	swait.ge [sflag:s7], $0x80  }
0x10: {  	[sflag:s7] =	ssyncset.done $0x0  }
0x11: {  	[sflag:s7] =	ssyncadd.s32 $0xFFFFFF80  }
0x12: {  	[tilespmem:s8], [sflag:$0x1] =	stream.indirect.gather [hbm4b:s1+s8], $0x80, s3, s8, $0xb8;
	[tilespmem:$0x4080] =	vst v63  }
0x13: {  	_ =	swait.ge [sflag:s9], $0x4000  }
0x14: {  	[sflag:s9] =	ssyncset.done $0x0  }
0x15: {  	[sflag:s9] =	ssyncadd.s32 $0xFFFFC000  }
0x16: {  	[hbm4b:s5+s3] =	stream.linear.scatter [tilespmem:s8], [sflag:$0x2], $0x4000, $0x38;
	[tilespmem:$0x4080] =	vst v63  }
0x17: {  	s12 =	simm.s32 $0x10;
	_ =	swait.ge [sflag:s7], $0x4000  }
0x18: {  	s13 =	simm.s32 $0x20;
	s11 =	sadd.s32 $0x800, s5;
	[sflag:s7] =	ssyncset.done $0x0  }
.LBB2_2:
0x19: {  	s14 =	sadd.s32 s12, s6  }
0x1a: {  	[sflag:s7] =	ssyncadd.s32 $0xFFFFC000;
	s12 =	smov.u32 s13;
	s15 =	sadd.s32 $0x10, s13  }
0x1b: {  	[tilespmem:s3], [sflag:$0x2] =	stream.linear.gather [hbm4b:s14+s3], $0x80, $0x38;
	[tilespmem:$0x4080] =	vst v63  }
0x1c: {  	p0 =	sne.s32 s13, $0x1F0;
	_ =	swait.ge [sflag:s7], $0x80  }
0x1d: {  	[sflag:s7] =	ssyncset.done $0x0  }
0x1e: {  	[sflag:s7] =	ssyncadd.s32 $0xFFFFFF80  }
0x1f: {  	[tilespmem:s8], [sflag:$0x1] =	stream.indirect.gather [hbm4b:s1+s8], $0x80, s3, s8, $0xb8;
	[tilespmem:$0x4080] =	vst v63  }
0x20: {  	_ =	swait.ge [sflag:s9], $0x4000  }
.Ltmp0:
0x21: {  	[sflag:s9] =	ssyncset.done $0x0;
	(pc) =	sbr.rel @p0 .LBB2_2-.Ltmp0, $4  }
0x22: {  	[sflag:s9] =	ssyncadd.s32 $0xFFFFC000  }
0x23: {  	[hbm4b:s11+s3] =	stream.linear.scatter [tilespmem:s8], [sflag:$0x2], $0x4000, $0x38;
	[tilespmem:$0x4080] =	vst v63  }
0x24: {  	_ =	swait.ge [sflag:s7], $0x4000  }
0x25: {  	s13 =	smov.u32 s15;
	s11 =	sadd.s32 $0x800, s11;
	[sflag:s7] =	ssyncset.done $0x0  }
0x26: {  	s12 =	sadd.s32 s12, s6;
	[sflag:s7] =	ssyncadd.s32 $0xFFFFC000  }
0x27: {  	[tilespmem:s3], [sflag:$0x2] =	stream.linear.gather [hbm4b:s12+s3], $0x80, $0x38;
	[tilespmem:$0x4080] =	vst v63  }
0x28: {  	_ =	swait.ge [sflag:s7], $0x80  }
0x29: {  	[sflag:s7] =	ssyncset.done $0x0  }
0x2a: {  	[sflag:s7] =	ssyncadd.s32 $0xFFFFFF80  }
0x2b: {  	[tilespmem:s8], [sflag:$0x1] =	stream.indirect.gather [hbm4b:s1+s8], $0x80, s3, s8, $0xb8;
	[tilespmem:$0x4080] =	vst v63  }
0x2c: {  	s10 =	sadd.s32 $0x1, s10;
	_ =	swait.ge [sflag:s9], $0x4000  }
0x2d: {  	p0 =	sne.s32 s10, s4;
	[sflag:s9] =	ssyncset.done $0x0  }
.Ltmp1:
0x2e: {  	[sflag:s9] =	ssyncadd.s32 $0xFFFFC000;
	(pc) =	sbr.rel @p0 .LBB2_1-.Ltmp1, $4  }
0x2f: {  	[hbm4b:s11+s3] =	stream.linear.scatter [tilespmem:s8], [sflag:$0x2], $0x4000, $0x38;
	[tilespmem:$0x4080] =	vst v63  }
0x30: {  	_ =	swait.ge [sflag:s7], $0x4000  }
0x31: {  	[sflag:s7] =	ssyncset.done $0x0  }
0x32: {  	[sflag:s7] =	ssyncadd.s32 $0xFFFFC000  }
0x33: {  	_ =	sfence.sel $0x180000  }
0x34: {  	[bflag:$0x0] =	sbarrier.arrive $0xFFFF  }
0x35: {  	p0 =	sne.s32 s2, $0x0;
	_ =	strace $0x90000047  }
0x36: {  	s0 =	sadd.s32 @!p0 $0x100000, s0;
	[bflag:$0x2] =	sbarrier.arrive $0xFFFF  }
0x37: {  	[sflag:s0] =	ssyncadd.tile.s32 @!p0 $0x1;
	_ =	shalt  }
.Lfunc_end2:
_tile_overlayer_lowered:
.L_overlay_start_2:
0x38: {  	(tag) =	ssettag $0x2  }
0x39: {  	s0 =	rddreg [dreg:$0x0];
	s2 =	stileid.u32  }
0x3a: {  	s1 =	rddreg [dreg:$0x1];
	p0 =	sne.s32 s2, $0x0  }
0x3b: {  	s3 =	rddreg [dreg:$0x2];
	[bflag:$0x3] =	sbarrier.arrive $0xFFFF;
	s2 =	simm.s32 @!p0 $0x1C02  }
0x3c: {  	[timem:s3], [sflag:s2] =	dma.local @!p0 [hbm:s0], s1  }
0x3d: {  	s0 =	simm.s32 @!p0 $0x2  }
0x3e: {  	_ =	swait.ge @!p0 [sflag:s0], s1  }
0x3f: {  	s1 =	ssub.s32 @!p0 $0x0, s1;
	[sflag:s0] =	ssyncset.done @!p0 $0x0  }
0x40: {  	[sflag:s0] =	ssyncadd.s32 @!p0 s1  }
0x41: {  	[bflag:$0x3] =	sbarrier.arrive $0xFFFF  }
0x42: {  	_ =	shalt  }

</sc_bundles>
